<compile_context>
chip_gen: v7x
topology: tpu7x:2x2x1
jax: 0.10.2.dev20260603
libtpu: 0.0.44.dev20260713+nightly
codegen_flags: <defaults>
</compile_context>

<pallas_src>
import jax
import jax.numpy as jnp
from jax import lax
from jax.experimental import pallas as pl
from jax.experimental.pallas import tpu as pltpu
from jax.experimental.pallas import tpu_sc as plsc

NC, NS = 1, 16
NW = NC * NS
B, N, L, F = 16, 1024, 2048, 64
NPW = N // NW
GROUP = 16


def _sc_body(in_hbm, del_hbm, rf_hbm, out_hbm, del_v, in_v, rf_v, out_v,
             sem1, sem2, sem3):
    cid = lax.axis_index("c")
    sid = lax.axis_index("s")
    wid = sid * NC + cid
    n0 = wid * NPW
    iota = lax.iota(jnp.int32, 16)

    c1 = pltpu.async_copy(del_hbm.at[:, pl.ds(n0, NPW)], del_v, sem1)
    c2 = pltpu.async_copy(in_hbm.at[:, pl.ds(n0, NPW)], in_v, sem2)
    c3 = pltpu.async_copy(rf_hbm.at[pl.ds(n0, NPW)], rf_v, sem3)
    c1.wait()
    c2.wait()
    c3.wait()

    def row_body(b, carry):
        for h in range(NPW // GROUP):
            d16 = del_v[b, pl.ds(h * GROUP, GROUP)] & (L - 1)
            f0 = (d16 + F - 1) & (L - 1)
            rfv = plsc.load_gather(rf_v, [h * GROUP + iota, f0 & (F - 1)])
            hit = (f0 < F).astype(jnp.float32)
            out_v[b, pl.ds(h * GROUP, GROUP)] = (
                in_v[b, pl.ds(h * GROUP, GROUP)] * rfv * hit)
        return carry

    lax.fori_loop(0, B, row_body, 0)
    pltpu.sync_copy(out_v, out_hbm.at[:, pl.ds(n0, NPW)])


@jax.jit
def _run(inputs, delays, rf):
    kern = pl.kernel(
        _sc_body,
        out_type=jax.ShapeDtypeStruct((B, N), jnp.float32),
        mesh=plsc.VectorSubcoreMesh(core_axis_name="c", subcore_axis_name="s",
                                    num_cores=NC, num_subcores=NS),
        scratch_types=[
            pltpu.VMEM((B, NPW), jnp.int32),
            pltpu.VMEM((B, NPW), jnp.float32),
            pltpu.VMEM((NPW, F), jnp.float32),
            pltpu.VMEM((B, NPW), jnp.float32),
            pltpu.SemaphoreType.DMA,
            pltpu.SemaphoreType.DMA,
            pltpu.SemaphoreType.DMA,
        ],
        compiler_params=pltpu.CompilerParams(needs_layout_passes=False,
                                             use_tc_tiling_on_sc=False),
    )
    return kern(inputs, delays, rf)


def kernel(inputs, delays, reflection_filters, buffer):
    if inputs.ndim == 3:
        inputs = inputs.squeeze(-1)
    out = _run(inputs, delays.astype(jnp.int32), reflection_filters)
    return out[..., None]

# --- scband reference (transcript-rebuilt; emitter-appended) ---
"""Pipeline reference for scband-integer-delay-lines-17721035063456 (READ-ONLY COPY).

The authoritative reference and input builder live on the scoring server;
editing this copy changes nothing except your own understanding.
"""

import jax, jax.numpy as jnp
import numpy as np


def setup_inputs(seed: int = 0) -> dict:
    key = jax.random.key(seed)
    k1, k2, k3 = jax.random.split(key, 3)
    B, N, L, F = 16, 1024, 2048, 64
    inputs = jax.random.normal(k1, (B, N), dtype=jnp.float32)
    delays = jax.random.randint(k2, (B, N), 0, L)
    reflection_filters = jax.random.normal(k3, (N, F), dtype=jnp.float32)
    # module state: delay-line buffer, zero-initialized as in __init__
    buffer = jnp.zeros((B, N, L), dtype=jnp.float32)
    return {"inputs": inputs, "delays": delays, "reflection_filters": reflection_filters, "buffer": buffer}


def reference(inputs, delays, reflection_filters, buffer):
    if inputs.ndim == 3:
        inputs = inputs.squeeze(-1)
    B, N = inputs.shape
    L = buffer.shape[-1]
    # roll buffer and scatter-write newest samples into last slot
    buf = jnp.roll(buffer, -1, axis=-1)
    buf = buf.at[:, :, -1].set(inputs)
    d = delays.astype(jnp.int32) % L
    if d.ndim == 1:
        d = jnp.broadcast_to(d.reshape(1, N, 1), (B, N, 1))
    else:
        d = d[:, :, None]
    base = jnp.arange(L, dtype=jnp.int32).reshape(1, 1, L)
    shifted_idx = (base - d) % L
    delayed = jnp.take_along_axis(buf, shifted_idx, axis=2)
    n_bins = reflection_filters.shape[-1]
    windowed = delayed[:, :, L - n_bins:L]
    outputs = (reflection_filters[None, :, :] * windowed).sum(-1)
    return outputs[..., None]

if __name__ == "__main__":
    import jax
    _d = setup_inputs()
    print(jax.jit(kernel)(*tuple(_d.values())))

</pallas_src>

<mosaic_0001>
#map = affine_map<(d0, d1) -> (0, 0)>
module attributes {stable_mosaic.version = 14 : i64} {
  func.func @_sc_body(%arg0: i32, %arg1: i32, %arg2: memref<16x1024xf32, #tpu.memory_space<hbm>>, %arg3: memref<16x1024xi32, #tpu.memory_space<hbm>>, %arg4: memref<1024x64xf32, #tpu.memory_space<hbm>>, %arg5: memref<16x1024xf32, #tpu.memory_space<hbm>>, %arg6: memref<16x64xi32, #tpu.memory_space<vmem>>, %arg7: memref<16x64xf32, #tpu.memory_space<vmem>>, %arg8: memref<64x64xf32, #tpu.memory_space<vmem>>, %arg9: memref<16x64xf32, #tpu.memory_space<vmem>>, %arg10: memref<!tpu.dma_semaphore, #tpu.memory_space<semaphore_mem>>, %arg11: memref<!tpu.dma_semaphore, #tpu.memory_space<semaphore_mem>>, %arg12: memref<!tpu.dma_semaphore, #tpu.memory_space<semaphore_mem>>) attributes {dimension_semantics = [#tpu.dimension_semantics<core_parallel>, #tpu.dimension_semantics<subcore_parallel>], iteration_bounds = array<i64: 1, 16>, scalar_prefetch = 0 : i64, scratch_operands = 7 : i64, tpu.core_type = #tpu.core_type<sc_vector_subcore>, window_params = [{transform_indices = #map}, {transform_indices = #map}, {transform_indices = #map}, {transform_indices = #map}]} {
    %mul3A = arith.constant 1 : i32
    %mul3A_0 = arith.muli %arg1, %mul3A : i32
    %add3A = arith.addi %mul3A_0, %arg0 : i32
    %mul3A_1 = arith.constant 64 : i32
    %mul3A_2 = arith.muli %add3A, %mul3A_1 : i32
    %iota3A = tpu.iota {dimensions = array<i32: 0>} : vector<16xi32>
    %dma_start3A = arith.constant 0 : i32
    %dma_start3A_3 = tpu.memref_slice %arg3[%dma_start3A, %mul3A_2] : memref<16x1024xi32, #tpu.memory_space<hbm>> -> memref<16x64xi32, #tpu.memory_space<hbm>>
    %dma_start3A_4 = arith.constant 0 : i32
    %dma_start3A_5 = tpu.memref_slice %arg3[%dma_start3A_4, %mul3A_2] : memref<16x1024xi32, #tpu.memory_space<hbm>> -> memref<16x64xi32, #tpu.memory_space<hbm>>
    tpu.enqueue_dma source(%dma_start3A_5 : memref<16x64xi32, #tpu.memory_space<hbm>>) target(%arg6 : memref<16x64xi32, #tpu.memory_space<vmem>>) target_semaphore(%arg10 : memref<!tpu.dma_semaphore, #tpu.memory_space<semaphore_mem>>)
    %dma_start3A_6 = arith.constant 0 : i32
    %dma_start3A_7 = tpu.memref_slice %arg2[%dma_start3A_6, %mul3A_2] : memref<16x1024xf32, #tpu.memory_space<hbm>> -> memref<16x64xf32, #tpu.memory_space<hbm>>
    %dma_start3A_8 = arith.constant 0 : i32
    %dma_start3A_9 = tpu.memref_slice %arg2[%dma_start3A_8, %mul3A_2] : memref<16x1024xf32, #tpu.memory_space<hbm>> -> memref<16x64xf32, #tpu.memory_space<hbm>>
    tpu.enqueue_dma source(%dma_start3A_9 : memref<16x64xf32, #tpu.memory_space<hbm>>) target(%arg7 : memref<16x64xf32, #tpu.memory_space<vmem>>) target_semaphore(%arg11 : memref<!tpu.dma_semaphore, #tpu.memory_space<semaphore_mem>>)
    %dma_start3A_10 = arith.constant 0 : i32
    %dma_start3A_11 = tpu.memref_slice %arg4[%mul3A_2, %dma_start3A_10] : memref<1024x64xf32, #tpu.memory_space<hbm>> -> memref<64x64xf32, #tpu.memory_space<hbm>>
    %dma_start3A_12 = arith.constant 0 : i32
    %dma_start3A_13 = tpu.memref_slice %arg4[%mul3A_2, %dma_start3A_12] : memref<1024x64xf32, #tpu.memory_space<hbm>> -> memref<64x64xf32, #tpu.memory_space<hbm>>
    tpu.enqueue_dma source(%dma_start3A_13 : memref<64x64xf32, #tpu.memory_space<hbm>>) target(%arg8 : memref<64x64xf32, #tpu.memory_space<vmem>>) target_semaphore(%arg12 : memref<!tpu.dma_semaphore, #tpu.memory_space<semaphore_mem>>)
    %dma_wait3A = arith.constant 0 : i32
    %dma_wait3A_14 = tpu.memref_slice %arg3[%dma_wait3A, %mul3A_2] : memref<16x1024xi32, #tpu.memory_space<hbm>> -> memref<16x64xi32, #tpu.memory_space<hbm>>
    %dma_wait3A_15 = arith.constant 0 : i32
    %dma_wait3A_16 = tpu.memref_slice %arg3[%dma_wait3A_15, %mul3A_2] : memref<16x1024xi32, #tpu.memory_space<hbm>> -> memref<16x64xi32, #tpu.memory_space<hbm>>
    tpu.wait_dma2 semaphore(%arg10 : memref<!tpu.dma_semaphore, #tpu.memory_space<semaphore_mem>>) src(%dma_wait3A_16 : memref<16x64xi32, #tpu.memory_space<hbm>>) dst(%arg6 : memref<16x64xi32, #tpu.memory_space<vmem>>)
    %dma_wait3A_17 = arith.constant 0 : i32
    %dma_wait3A_18 = tpu.memref_slice %arg2[%dma_wait3A_17, %mul3A_2] : memref<16x1024xf32, #tpu.memory_space<hbm>> -> memref<16x64xf32, #tpu.memory_space<hbm>>
    %dma_wait3A_19 = arith.constant 0 : i32
    %dma_wait3A_20 = tpu.memref_slice %arg2[%dma_wait3A_19, %mul3A_2] : memref<16x1024xf32, #tpu.memory_space<hbm>> -> memref<16x64xf32, #tpu.memory_space<hbm>>
    tpu.wait_dma2 semaphore(%arg11 : memref<!tpu.dma_semaphore, #tpu.memory_space<semaphore_mem>>) src(%dma_wait3A_20 : memref<16x64xf32, #tpu.memory_space<hbm>>) dst(%arg7 : memref<16x64xf32, #tpu.memory_space<vmem>>)
    %dma_wait3A_21 = arith.constant 0 : i32
    %dma_wait3A_22 = tpu.memref_slice %arg4[%mul3A_2, %dma_wait3A_21] : memref<1024x64xf32, #tpu.memory_space<hbm>> -> memref<64x64xf32, #tpu.memory_space<hbm>>
    %dma_wait3A_23 = arith.constant 0 : i32
    %dma_wait3A_24 = tpu.memref_slice %arg4[%mul3A_2, %dma_wait3A_23] : memref<1024x64xf32, #tpu.memory_space<hbm>> -> memref<64x64xf32, #tpu.memory_space<hbm>>
    tpu.wait_dma2 semaphore(%arg12 : memref<!tpu.dma_semaphore, #tpu.memory_space<semaphore_mem>>) src(%dma_wait3A_24 : memref<64x64xf32, #tpu.memory_space<hbm>>) dst(%arg8 : memref<64x64xf32, #tpu.memory_space<vmem>>)
    %scan3A = arith.constant 0 : i32
    %scan3A_25 = arith.constant 0 : i32
    %scan3A_26 = arith.constant 16 : i32
    %scan3A_27 = arith.addi %scan3A_25, %scan3A_26 : i32
    %scan3A_28 = arith.constant 1 : i32
    scf.for %scan3A_30 = %scan3A_25 to %scan3A_27 step %scan3A_28  : i32 {
      %get3A = arith.index_cast %scan3A_30 : i32 to index
      %get3A_31 = arith.constant 0 : index
      %get3A_32 = tpu.vector_load %arg6[%get3A, %get3A_31] {strides = array<i32>} : memref<16x64xi32, #tpu.memory_space<vmem>>, vector<16xi32>,
      %and3A = arith.constant 2047 : i32
      %and3A_33 = vector.broadcast %and3A : i32 to vector<16xi32>
      %and3A_34 = arith.andi %get3A_32, %and3A_33 : vector<16xi32>
      %add3A_35 = arith.constant 64 : i32
      %add3A_36 = vector.broadcast %add3A_35 : i32 to vector<16xi32>
      %add3A_37 = arith.addi %and3A_34, %add3A_36 : vector<16xi32>
      %sub3A = arith.constant 1 : i32
      %sub3A_38 = vector.broadcast %sub3A : i32 to vector<16xi32>
      %sub3A_39 = arith.subi %add3A_37, %sub3A_38 : vector<16xi32>
      %and3A_40 = arith.constant 2047 : i32
      %and3A_41 = vector.broadcast %and3A_40 : i32 to vector<16xi32>
      %and3A_42 = arith.andi %sub3A_39, %and3A_41 : vector<16xi32>
      %add3A_43 = arith.constant 0 : i32
      %add3A_44 = vector.broadcast %add3A_43 : i32 to vector<16xi32>
      %add3A_45 = arith.addi %add3A_44, %iota3A : vector<16xi32>
      %and3A_46 = arith.constant 63 : i32
      %and3A_47 = vector.broadcast %and3A_46 : i32 to vector<16xi32>
      %and3A_48 = arith.andi %and3A_42, %and3A_47 : vector<16xi32>
      %gather3A = tpu.vector_load_idx %arg8[%add3A_45, %and3A_48] : memref<64x64xf32, #tpu.memory_space<vmem>>[vector<16xi32>, vector<16xi32>], vector<16xf32>,
      %lt3A = arith.constant 64 : i32
      %lt3A_49 = vector.broadcast %lt3A : i32 to vector<16xi32>
      %lt3A_50 = arith.cmpi slt, %and3A_42, %lt3A_49 : vector<16xi32>
      %convert_element_type3A = arith.extui %lt3A_50 : vector<16xi1> to vector<16xi32>
      %convert_element_type3A_51 = arith.sitofp %convert_element_type3A : vector<16xi32> to vector<16xf32>
      %get3A_52 = arith.index_cast %scan3A_30 : i32 to index
      %get3A_53 = arith.constant 0 : index
      %get3A_54 = tpu.vector_load %arg7[%get3A_52, %get3A_53] {strides = array<i32>} : memref<16x64xf32, #tpu.memory_space<vmem>>, vector<16xf32>,
      %mul3A_55 = arith.mulf %get3A_54, %gather3A : vector<16xf32>
      %mul3A_56 = arith.mulf %mul3A_55, %convert_element_type3A_51 : vector<16xf32>
      %swap3A = arith.index_cast %scan3A_30 : i32 to index
      %swap3A_57 = arith.constant 0 : index
      %swap3A_58 = tpu.vector_load %arg9[%swap3A, %swap3A_57] {strides = array<i32>} : memref<16x64xf32, #tpu.memory_space<vmem>>, vector<16xf32>,
      tpu.vector_store %arg9[%swap3A, %swap3A_57], %mul3A_56 {strides = array<i32>} : memref<16x64xf32, #tpu.memory_space<vmem>>, vector<16xf32>,
      %get3A_59 = arith.index_cast %scan3A_30 : i32 to index
      %get3A_60 = arith.constant 16 : index
      %get3A_61 = tpu.vector_load %arg6[%get3A_59, %get3A_60] {strides = array<i32>} : memref<16x64xi32, #tpu.memory_space<vmem>>, vector<16xi32>,
      %and3A_62 = arith.constant 2047 : i32
      %and3A_63 = vector.broadcast %and3A_62 : i32 to vector<16xi32>
      %and3A_64 = arith.andi %get3A_61, %and3A_63 : vector<16xi32>
      %add3A_65 = arith.constant 64 : i32
      %add3A_66 = vector.broadcast %add3A_65 : i32 to vector<16xi32>
      %add3A_67 = arith.addi %and3A_64, %add3A_66 : vector<16xi32>
      %sub3A_68 = arith.constant 1 : i32
      %sub3A_69 = vector.broadcast %sub3A_68 : i32 to vector<16xi32>
      %sub3A_70 = arith.subi %add3A_67, %sub3A_69 : vector<16xi32>
      %and3A_71 = arith.constant 2047 : i32
      %and3A_72 = vector.broadcast %and3A_71 : i32 to vector<16xi32>
      %and3A_73 = arith.andi %sub3A_70, %and3A_72 : vector<16xi32>
      %add3A_74 = arith.constant 16 : i32
      %add3A_75 = vector.broadcast %add3A_74 : i32 to vector<16xi32>
      %add3A_76 = arith.addi %add3A_75, %iota3A : vector<16xi32>
      %and3A_77 = arith.constant 63 : i32
      %and3A_78 = vector.broadcast %and3A_77 : i32 to vector<16xi32>
      %and3A_79 = arith.andi %and3A_73, %and3A_78 : vector<16xi32>
      %gather3A_80 = tpu.vector_load_idx %arg8[%add3A_76, %and3A_79] : memref<64x64xf32, #tpu.memory_space<vmem>>[vector<16xi32>, vector<16xi32>], vector<16xf32>,
      %lt3A_81 = arith.constant 64 : i32
      %lt3A_82 = vector.broadcast %lt3A_81 : i32 to vector<16xi32>
      %lt3A_83 = arith.cmpi slt, %and3A_73, %lt3A_82 : vector<16xi32>
      %convert_element_type3A_84 = arith.extui %lt3A_83 : vector<16xi1> to vector<16xi32>
      %convert_element_type3A_85 = arith.sitofp %convert_element_type3A_84 : vector<16xi32> to vector<16xf32>
      %get3A_86 = arith.index_cast %scan3A_30 : i32 to index
      %get3A_87 = arith.constant 16 : index
      %get3A_88 = tpu.vector_load %arg7[%get3A_86, %get3A_87] {strides = array<i32>} : memref<16x64xf32, #tpu.memory_space<vmem>>, vector<16xf32>,
      %mul3A_89 = arith.mulf %get3A_88, %gather3A_80 : vector<16xf32>
      %mul3A_90 = arith.mulf %mul3A_89, %convert_element_type3A_85 : vector<16xf32>
      %swap3A_91 = arith.index_cast %scan3A_30 : i32 to index
      %swap3A_92 = arith.constant 16 : index
      %swap3A_93 = tpu.vector_load %arg9[%swap3A_91, %swap3A_92] {strides = array<i32>} : memref<16x64xf32, #tpu.memory_space<vmem>>, vector<16xf32>,
      tpu.vector_store %arg9[%swap3A_91, %swap3A_92], %mul3A_90 {strides = array<i32>} : memref<16x64xf32, #tpu.memory_space<vmem>>, vector<16xf32>,
      %get3A_94 = arith.index_cast %scan3A_30 : i32 to index
      %get3A_95 = arith.constant 32 : index
      %get3A_96 = tpu.vector_load %arg6[%get3A_94, %get3A_95] {strides = array<i32>} : memref<16x64xi32, #tpu.memory_space<vmem>>, vector<16xi32>,
      %and3A_97 = arith.constant 2047 : i32
      %and3A_98 = vector.broadcast %and3A_97 : i32 to vector<16xi32>
      %and3A_99 = arith.andi %get3A_96, %and3A_98 : vector<16xi32>
      %add3A_100 = arith.constant 64 : i32
      %add3A_101 = vector.broadcast %add3A_100 : i32 to vector<16xi32>
      %add3A_102 = arith.addi %and3A_99, %add3A_101 : vector<16xi32>
      %sub3A_103 = arith.constant 1 : i32
      %sub3A_104 = vector.broadcast %sub3A_103 : i32 to vector<16xi32>
      %sub3A_105 = arith.subi %add3A_102, %sub3A_104 : vector<16xi32>
      %and3A_106 = arith.constant 2047 : i32
      %and3A_107 = vector.broadcast %and3A_106 : i32 to vector<16xi32>
      %and3A_108 = arith.andi %sub3A_105, %and3A_107 : vector<16xi32>
      %add3A_109 = arith.constant 32 : i32
      %add3A_110 = vector.broadcast %add3A_109 : i32 to vector<16xi32>
      %add3A_111 = arith.addi %add3A_110, %iota3A : vector<16xi32>
      %and3A_112 = arith.constant 63 : i32
      %and3A_113 = vector.broadcast %and3A_112 : i32 to vector<16xi32>
      %and3A_114 = arith.andi %and3A_108, %and3A_113 : vector<16xi32>
      %gather3A_115 = tpu.vector_load_idx %arg8[%add3A_111, %and3A_114] : memref<64x64xf32, #tpu.memory_space<vmem>>[vector<16xi32>, vector<16xi32>], vector<16xf32>,
      %lt3A_116 = arith.constant 64 : i32
      %lt3A_117 = vector.broadcast %lt3A_116 : i32 to vector<16xi32>
      %lt3A_118 = arith.cmpi slt, %and3A_108, %lt3A_117 : vector<16xi32>
      %convert_element_type3A_119 = arith.extui %lt3A_118 : vector<16xi1> to vector<16xi32>
      %convert_element_type3A_120 = arith.sitofp %convert_element_type3A_119 : vector<16xi32> to vector<16xf32>
      %get3A_121 = arith.index_cast %scan3A_30 : i32 to index
      %get3A_122 = arith.constant 32 : index
      %get3A_123 = tpu.vector_load %arg7[%get3A_121, %get3A_122] {strides = array<i32>} : memref<16x64xf32, #tpu.memory_space<vmem>>, vector<16xf32>,
      %mul3A_124 = arith.mulf %get3A_123, %gather3A_115 : vector<16xf32>
      %mul3A_125 = arith.mulf %mul3A_124, %convert_element_type3A_120 : vector<16xf32>
      %swap3A_126 = arith.index_cast %scan3A_30 : i32 to index
      %swap3A_127 = arith.constant 32 : index
      %swap3A_128 = tpu.vector_load %arg9[%swap3A_126, %swap3A_127] {strides = array<i32>} : memref<16x64xf32, #tpu.memory_space<vmem>>, vector<16xf32>,
      tpu.vector_store %arg9[%swap3A_126, %swap3A_127], %mul3A_125 {strides = array<i32>} : memref<16x64xf32, #tpu.memory_space<vmem>>, vector<16xf32>,
      %get3A_129 = arith.index_cast %scan3A_30 : i32 to index
      %get3A_130 = arith.constant 48 : index
      %get3A_131 = tpu.vector_load %arg6[%get3A_129, %get3A_130] {strides = array<i32>} : memref<16x64xi32, #tpu.memory_space<vmem>>, vector<16xi32>,
      %and3A_132 = arith.constant 2047 : i32
      %and3A_133 = vector.broadcast %and3A_132 : i32 to vector<16xi32>
      %and3A_134 = arith.andi %get3A_131, %and3A_133 : vector<16xi32>
      %add3A_135 = arith.constant 64 : i32
      %add3A_136 = vector.broadcast %add3A_135 : i32 to vector<16xi32>
      %add3A_137 = arith.addi %and3A_134, %add3A_136 : vector<16xi32>
      %sub3A_138 = arith.constant 1 : i32
      %sub3A_139 = vector.broadcast %sub3A_138 : i32 to vector<16xi32>
      %sub3A_140 = arith.subi %add3A_137, %sub3A_139 : vector<16xi32>
      %and3A_141 = arith.constant 2047 : i32
      %and3A_142 = vector.broadcast %and3A_141 : i32 to vector<16xi32>
      %and3A_143 = arith.andi %sub3A_140, %and3A_142 : vector<16xi32>
      %add3A_144 = arith.constant 48 : i32
      %add3A_145 = vector.broadcast %add3A_144 : i32 to vector<16xi32>
      %add3A_146 = arith.addi %add3A_145, %iota3A : vector<16xi32>
      %and3A_147 = arith.constant 63 : i32
      %and3A_148 = vector.broadcast %and3A_147 : i32 to vector<16xi32>
      %and3A_149 = arith.andi %and3A_143, %and3A_148 : vector<16xi32>
      %gather3A_150 = tpu.vector_load_idx %arg8[%add3A_146, %and3A_149] : memref<64x64xf32, #tpu.memory_space<vmem>>[vector<16xi32>, vector<16xi32>], vector<16xf32>,
      %lt3A_151 = arith.constant 64 : i32
      %lt3A_152 = vector.broadcast %lt3A_151 : i32 to vector<16xi32>
      %lt3A_153 = arith.cmpi slt, %and3A_143, %lt3A_152 : vector<16xi32>
      %convert_element_type3A_154 = arith.extui %lt3A_153 : vector<16xi1> to vector<16xi32>
      %convert_element_type3A_155 = arith.sitofp %convert_element_type3A_154 : vector<16xi32> to vector<16xf32>
      %get3A_156 = arith.index_cast %scan3A_30 : i32 to index
      %get3A_157 = arith.constant 48 : index
      %get3A_158 = tpu.vector_load %arg7[%get3A_156, %get3A_157] {strides = array<i32>} : memref<16x64xf32, #tpu.memory_space<vmem>>, vector<16xf32>,
      %mul3A_159 = arith.mulf %get3A_158, %gather3A_150 : vector<16xf32>
      %mul3A_160 = arith.mulf %mul3A_159, %convert_element_type3A_155 : vector<16xf32>
      %swap3A_161 = arith.index_cast %scan3A_30 : i32 to index
      %swap3A_162 = arith.constant 48 : index
      %swap3A_163 = tpu.vector_load %arg9[%swap3A_161, %swap3A_162] {strides = array<i32>} : memref<16x64xf32, #tpu.memory_space<vmem>>, vector<16xf32>,
      tpu.vector_store %arg9[%swap3A_161, %swap3A_162], %mul3A_160 {strides = array<i32>} : memref<16x64xf32, #tpu.memory_space<vmem>>, vector<16xf32>,
    }
    %scan3A_29 = arith.constant 16 : i32
    "tpu.region"() ({
      %run_scoped3A = tpu.sem_alloc : memref<!tpu.dma_semaphore, #tpu.memory_space<semaphore_mem>>
      %dma_start3A_30 = arith.constant 0 : i32
      %dma_start3A_31 = tpu.memref_slice %arg5[%dma_start3A_30, %mul3A_2] : memref<16x1024xf32, #tpu.memory_space<hbm>> -> memref<16x64xf32, #tpu.memory_space<hbm>>
      %dma_start3A_32 = arith.constant 0 : i32
      %dma_start3A_33 = tpu.memref_slice %arg5[%dma_start3A_32, %mul3A_2] : memref<16x1024xf32, #tpu.memory_space<hbm>> -> memref<16x64xf32, #tpu.memory_space<hbm>>
      tpu.enqueue_dma source(%arg9 : memref<16x64xf32, #tpu.memory_space<vmem>>) target(%dma_start3A_33 : memref<16x64xf32, #tpu.memory_space<hbm>>) target_semaphore(%run_scoped3A : memref<!tpu.dma_semaphore, #tpu.memory_space<semaphore_mem>>)
      %dma_wait3A_34 = arith.constant 0 : i32
      %dma_wait3A_35 = tpu.memref_slice %arg5[%dma_wait3A_34, %mul3A_2] : memref<16x1024xf32, #tpu.memory_space<hbm>> -> memref<16x64xf32, #tpu.memory_space<hbm>>
      %dma_wait3A_36 = arith.constant 0 : i32
      %dma_wait3A_37 = tpu.memref_slice %arg5[%dma_wait3A_36, %mul3A_2] : memref<16x1024xf32, #tpu.memory_space<hbm>> -> memref<16x64xf32, #tpu.memory_space<hbm>>
      tpu.wait_dma2 semaphore(%run_scoped3A : memref<!tpu.dma_semaphore, #tpu.memory_space<semaphore_mem>>) src(%arg9 : memref<16x64xf32, #tpu.memory_space<vmem>>) dst(%dma_wait3A_37 : memref<16x64xf32, #tpu.memory_space<hbm>>)
      tpu.yield
    }) : () -> ()
    return
  }
}

</mosaic_0001>

<sc_bundles>
// kernel: _run.3.cloned.1.call-start
scs
__scs_entry_jumppad:
0x0: {  	(pc) =	sbr.rel $0x88, $3  }
0x1: {  	(tag) =	ssettag $0x0;
	lr =	simm.s32 $0x1  }
0x2: {  	[smem:$0x3F9E] =	sst lr;
	_ =	strace $0xD0000000  }
0x3: {  	_ = 	snop  }
0x4: {  	_ = 	snop  }
0x5: {  	_ = 	snop  }
0x6: {  	_ = 	snop  }
0x7: {  	_ = 	snop  }
__scs_overlays_trampoline_lowered:
0x8: {  	[smem:$0x3FAD] =	sst s0  }
0x9: {  	[smem:$0x3FAE] =	sst s1  }
0xa: {  	[smem:$0x3FAF] =	sst s2  }
0xb: {  	[smem:$0x3FB0] =	sst s3  }
0xc: {  	[smem:$0x3FB1] =	sst s4  }
0xd: {  	[smem:$0x3FB2] =	sst s5  }
0xe: {  	[smem:$0x3FB3] =	sst s6  }
0xf: {  	[smem:$0x3FB4] =	sst s7  }
0x10: {  	[smem:$0x3FB5] =	sst s8  }
0x11: {  	[smem:$0x3FB6] =	sst s9;
	s0 =	simm.s32 @!p0 $0x0  }
0x12: {  	s1 =	sld [smem:$0x3F9C];
	s0 =	simm.s32 @p0 $0x1  }
0x13: {  	[smem:$0x3FB7] =	sst s0;
	s0 =	simm.s32 @!p1 $0x0  }
0x14: {  	s2 =	sld [smem:$0x3F9B];
	s0 =	simm.s32 @p1 $0x1  }
0x15: {  	[smem:$0x3FB8] =	sst s0;
	s0 =	simm.s32 @!p2 $0x0  }
0x16: {  	s3 =	sld [smem:$0x3FDB];
	s0 =	simm.s32 @p2 $0x1  }
0x17: {  	s4 =	simm.s32 $0x1BF5;
	[smem:$0x3FBA] =	sst s0  }
0x18: {  	s0 =	sld [smem:$0x3F9D];
	_ =	swait.ge [sflag:s4], $0x0  }
0x19: {  	s7 =	sld [smem:$0x3F9E]  }
0x1a: {  	s8 =	sadd.s32 $0xFFFFE003, lr  }
0x1b: {  	s9 =	sadd.s32 $0xFFFFFEF7, lr;
	s5 =	simm.s32 $0xFFFFFFFF;
	p2 =	slt.u32 s8, $0xFFFFF086  }
0x1c: {  	p1 =	slt.u32 s9, $0xF7A;
	s5 =	simm.s32 @!p2 $0x0  }
0x1d: {  	s5 =	simm.s32 @p1 $0x1;
	p0 =	seq.s32 s7, s2  }
0x1e: {  	s7 =	smul.u32 @!p0 $0xF7A, s2;
	p2 =	seq.s32 @!p0 s5, $0x0  }
0x1f: {  	s9 =	smul.u32 $0xF7A, s1;
	s8 =	simm.s32 @!p0 $0x1BF5;
	p2 =	por !p2, p0  }
0x20: {  	[sflag:s8] =	ssyncset.s32 @!p0 $0xFFFFF086;
	s6 =	sadd.s32 @!p0 s3, s7;
	s7 =	simm.s32 @!p0 $0x108  }
0x21: {  	s3 =	sadd.s32 s3, s9;
	s6 =	sadd.s32 @!p0 $0x88, s6;
	s7 =	simm.s32 @p2 $0x1082  }
0x22: {  	[simem:s7], [sflag:s8] =	dma.local @!p0 [hbm:s6], $0xF7A  }
0x23: {  	s9 =	sor.u32 $0xD0000000, s2;
	s6 =	simm.s32 $0x108;
	_ =	swait.ge @!p0 [sflag:s8], $0x0  }
0x24: {  	s3 =	sadd.s32 $0x88, s3;
	s6 =	simm.s32 @!p1 $0x1082;
	[sflag:s4] =	ssyncset.s32 $0xFFFFF086  }
0x25: {  	[simem:s6], [sflag:s4] =	dma.local [hbm:s3], $0xF7A  }
0x26: {  	[smem:$0x3F9E] =	sst s1;
	(tag) =	ssettag s2;
	_ =	strace s9  }
0x27: {  	s1 =	sld [smem:$0x3FAE]  }
0x28: {  	s2 =	sld [smem:$0x3FAF]  }
0x29: {  	s4 =	sld [smem:$0x3FB1]  }
0x2a: {  	p0 =	seq.s32 s5, $0x0;
	s5 =	sld [smem:$0x3FB2]  }
0x2b: {  	s6 =	sld [smem:$0x3FB3]  }
0x2c: {  	s7 =	sld [smem:$0x3FB4]  }
0x2d: {  	s3 =	simm.s32 $0x108;
	s8 =	sld [smem:$0x3FB5]  }
0x2e: {  	s3 =	simm.s32 @!p0 $0x1082;
	s9 =	sld [smem:$0x3FB6]  }
0x2f: {  	lr =	sadd.s32 s0, s3;
	s0 =	sld [smem:$0x3FAD]  }
0x30: {  	s3 =	sld [smem:$0x3FB0]  }
0x31: {  	[smem:$0x3FB9] =	sst s10  }
0x32: {  	s10 =	sld [smem:$0x3FB7];
	_ =	sdelay $0x3  }
0x33: {  	p0 =	seq.s32 s10, $0x1;
	s10 =	sld [smem:$0x3FB9];
	_ =	sdelay $0x3  }
0x34: {  	[smem:$0x3FB9] =	sst s10  }
0x35: {  	s10 =	sld [smem:$0x3FB8];
	_ =	sdelay $0x3  }
0x36: {  	p1 =	seq.s32 s10, $0x1;
	s10 =	sld [smem:$0x3FB9];
	_ =	sdelay $0x3  }
0x37: {  	[smem:$0x3FB9] =	sst s10  }
0x38: {  	s10 =	sld [smem:$0x3FBA]  }
0x39: {  	_ = 	snop;
	(pc) =	sbr.ind lr, $3  }
0x3a: {  	_ = 	snop  }
0x3b: {  	_ = 	snop  }
0x3c: {  	p2 =	seq.s32 s10, $0x1;
	s10 =	sld [smem:$0x3FB9]  }
0x3d: {  	_ =	shalt  }
0x3e: {  	_ =	shalt  }
0x3f: {  	_ =	shalt  }
0x40: {  	_ =	shalt  }
0x41: {  	_ =	shalt  }
0x42: {  	_ =	shalt  }
0x43: {  	_ =	shalt  }
0x44: {  	_ =	shalt  }
0x45: {  	_ =	shalt  }
0x46: {  	_ =	shalt  }
0x47: {  	_ =	shalt  }
0x48: {  	_ =	shalt  }
0x49: {  	_ =	shalt  }
0x4a: {  	_ =	shalt  }
0x4b: {  	_ =	shalt  }
0x4c: {  	_ =	shalt  }
0x4d: {  	_ =	shalt  }
0x4e: {  	_ =	shalt  }
0x4f: {  	_ =	shalt  }
0x50: {  	_ =	shalt  }
0x51: {  	_ =	shalt  }
0x52: {  	_ =	shalt  }
0x53: {  	_ =	shalt  }
0x54: {  	_ =	shalt  }
0x55: {  	_ =	shalt  }
0x56: {  	_ =	shalt  }
0x57: {  	_ =	shalt  }
0x58: {  	_ =	shalt  }
0x59: {  	_ =	shalt  }
0x5a: {  	_ =	shalt  }
0x5b: {  	_ =	shalt  }
0x5c: {  	_ =	shalt  }
0x5d: {  	_ =	shalt  }
0x5e: {  	_ =	shalt  }
0x5f: {  	_ =	shalt  }
0x60: {  	_ =	shalt  }
0x61: {  	_ =	shalt  }
0x62: {  	_ =	shalt  }
0x63: {  	_ =	shalt  }
0x64: {  	_ =	shalt  }
0x65: {  	_ =	shalt  }
0x66: {  	_ =	shalt  }
0x67: {  	_ =	shalt  }
0x68: {  	_ =	shalt  }
0x69: {  	_ =	shalt  }
0x6a: {  	_ =	shalt  }
0x6b: {  	_ =	shalt  }
0x6c: {  	_ =	shalt  }
0x6d: {  	_ =	shalt  }
0x6e: {  	_ =	shalt  }
0x6f: {  	_ =	shalt  }
0x70: {  	_ =	shalt  }
0x71: {  	_ =	shalt  }
0x72: {  	_ =	shalt  }
0x73: {  	_ =	shalt  }
0x74: {  	_ =	shalt  }
0x75: {  	_ =	shalt  }
0x76: {  	_ =	shalt  }
0x77: {  	_ =	shalt  }
0x78: {  	_ =	shalt  }
0x79: {  	_ =	shalt  }
0x7a: {  	_ =	shalt  }
0x7b: {  	_ =	shalt  }
0x7c: {  	_ =	shalt  }
0x7d: {  	_ =	shalt  }
0x7e: {  	_ =	shalt  }
0x7f: {  	_ =	shalt  }
0x80: {  	_ =	shalt  }
0x81: {  	_ =	shalt  }
0x82: {  	_ =	shalt  }
0x83: {  	_ =	shalt  }
0x84: {  	_ =	shalt  }
0x85: {  	_ =	shalt  }
0x86: {  	_ =	shalt  }
0x87: {  	_ =	shalt  }
.Lfunc_end0:
.L_simem_size_0:
called_computation_lowered:
.L_overlay_start_0:
0x88: {  	s0 =	sld [smem:$0x3FD9]  }
0x89: {  	s1 =	sld [smem:$0x3FFE];
	_ =	sdelay $0x3  }
0x8a: {  	s0 =	sadd.s32 s1, s0  }
0x8b: {  	[smem:$0x3FC5] =	sst s0  }
0x8c: {  	_ = 	snop  }
0x8d: {  	s0 =	sld [smem:$0x3FD0];
	(tm) =	ssettm $0x1  }
0x8e: {  	s16 =	sld [smem:$0x3FFB];
	_ =	sdelay $0x3  }
0x8f: {  	_ =	strace s16  }
0x90: {  	s1 =	sld [smem:$0x3FFC];
	_ =	sdelay $0x3  }
0x91: {  	_ =	strace s1  }
0x92: {  	s1 =	sld [smem:$0x3FFD];
	_ =	sdelay $0x3  }
0x93: {  	_ =	strace s1  }
0x94: {  	_ =	strace $0x8FFFFFFF  }
0x95: {  	s17 =	sld [smem:$0x3FDB];
	_ =	sdelay $0x1  }
0x96: {  	s2 =	simm.s32 $_scs_section_size  }
0x97: {  	s3 =	simm.s32 $_size__tile_overlayer_lowered;
	s4 =	simm.s32 $_tile_overlayer_lowered  }
0x98: {  	s20 =	simm.s32 $0x1BFF;
	s19 =	sshll.u32 s4, $0x1;
	s1 =	sadd.s32 s2, s17  }
0x99: {  	s5 =	simm.s32 $0x0;
	s18 =	sshll.u32 s3, $0x1;
	s3 =	sadd.s32 s19, s1  }
0x9a: {  	[timem:s5], [sflag:s20] =	dma.local [hbm:s3], s18  }
0x9b: {  	_ =	swait.ge [sflag:s20], s18  }
0x9c: {  	s2 =	ssub.s32 $0x0, s18;
	[sflag:s20] =	ssyncset.done $0x0  }
0x9d: {  	[sflag:s20] =	ssyncadd.s32 s2;
	_ =	sdelay $0x1  }
0x9e: {  	s21 =	simm.s32 $0x1B8B  }
0x9f: {  	_ =	swait.ge [sflag:s21], $0x1  }
0xa0: {  	[sflag:s21] =	ssyncset.done $0x0  }
0xa1: {  	s23 =	simm.s32 $0x1B8E;
	s22 =	sld [smem:$0x3FFE];
	[sflag:s21] =	ssyncadd.s32 $0xFFFFFFFF  }
0xa2: {  	s24 =	simm.s32 $execute0_lowered;
	[smem:$0x3FD2] =	sst s23  }
0xa3: {  	s3 =	sshll.u32 s24, $0x1;
	_ =	strace $0x80000046;
	[dreg:$0x1] =	wrdreg $0xFFFFFFFF  }
0xa4: {  	s25 =	simm.s32 $_size_execute0_lowered;
	s1 =	sadd.s32 s1, s3;
	[dreg:$0x0] =	wrdreg $0x0  }
0xa5: {  	s3 =	sshll.u32 s25, $0x1;
	[dreg:$0x2] =	wrdreg s1  }
0xa6: {  	[dreg:$0x3] =	wrdreg s3  }
0xa7: {  	[dreg:$0x4] =	wrdreg $0xC0  }
0xa8: {  	_ =	task [dreg:s5], $0x5FFFF  }
0xa9: {  	[dreg:$0x1] =	wrdreg $0xFFFFFFFF  }
0xaa: {  	[dreg:$0x0] =	wrdreg $0x60  }
0xab: {  	[dreg:$0x2] =	wrdreg s0  }
0xac: {  	[dreg:$0x3] =	wrdreg s22  }
0xad: {  	[dreg:$0x4] =	wrdreg $0x9  }
0xae: {  	_ =	task.clear_ibuf [dreg:s5], $0x5FFFF;
	_ =	strace $0x90000046  }
0xaf: {  	s26 =	simm.s32 $0x9;
	_ =	strace $0x80000048  }
0xb0: {  	_ =	swait.ge [sflag:s26], $0x1  }
0xb1: {  	[sflag:s26] =	ssyncadd.s32 $0xFFFFFFFF  }
0xb2: {  	_ =	strace $0x90000048  }
0xb3: {  	_ =	sfence  }
0xb4: {  	s28 =	sld [smem:$0x0];
	_ =	sdelay $0x1  }
0xb5: {  	s29 =	srdreg.scid  }
0xb6: {  	s30 =	sshll.u32 s29, $0xD;
	s31 =	sshrl.u32 s29, $0x2  }
0xb7: {  	s2 =	sand.u32 $0x4000, s30;
	s1 =	sand.u32 $0x1, s29;
	s0 =	sadd.s32 s31, s28  }
0xb8: {  	s1 =	sor.u32 s2, s1;
	s0 =	sshll.u32 s0, $0x11  }
0xb9: {  	s0 =	sor.u32 s0, s1  }
0xba: {  	s0 =	sadd.s32 $0x8F2B, s0  }
0xbb: {  	[sflag:s0] =	ssyncadd.remote.s32 $0x1  }
0xbc: {  	_ =	sfence.sel $0xFFFF  }
0xbd: {  	[dreg:$0x0] =	wrdreg $0xFFFFFFFF;
	(pc) =	sbr.abs _section_cstart, $3  }
0xbe: {  	[dreg:$0x1] =	wrdreg $0xFFFFFFFF  }
0xbf: {  	_ =	task.clear_ibuf [dreg:s5], $0x2FFFF;
	_ =	strace $0x9FFFFFFF  }
0xc0: {  	(tm) =	ssettm $0x7FFFFFFF  }
0xc1: {  	_ =	shalt  }
tec
execute0_lowered:
.L_overlay_start_1:
0x0: {  	(tag) =	ssettag $0x1  }
0x1: {  	s3 =	rddreg [dreg:$0x0]  }
0x2: {  	s5 =	rddreg [dreg:$0x1]  }
0x3: {  	s0 =	rddreg [dreg:$0x2];
	s1 =	stileid.u32  }
0x4: {  	s4 =	simm.s32 $0x0;
	s8 =	simm.s32 $0x40;
	s2 =	sshll.u32 s1, $0x3  }
0x5: {  	s9 =	simm.s32 $0x400;
	[smem:$0x7FF] =	sst s4;
	s6 =	sadd.s32 s2, s5  }
0x6: {  	s7 =	sshll.u32 s1, $0x9;
	_ =	strace $0x80000047;
	s6 =	sadd.s32 $0x2800, s6  }
0x7: {  	[tilespmem:s4], [sflag:$0x1] =	stream.strided.gather [hbm4b:s6+s8], $0x400, s9, s8, $0x38;
	[tilespmem:$0x1C00] =	vst v63  }
0x8: {  	s28 =	sadd.s32 s7, s5;
	s3 =	sadd.s32 s3, s2  }
0x9: {  	[tilespmem:s9], [sflag:$0x2] =	stream.strided.gather [hbm4b:s3+s8], $0x400, s9, s8, $0x38;
	[tilespmem:$0x1C00] =	vst v63  }
0xa: {  	s29 =	simm.s32 $0x1;
	s6 =	sadd.s32 $0x800, s28;
	s3 =	simm.s32 $0x800  }
0xb: {  	[tilespmem:s3], [sflag:$0x3] =	stream.linear.gather [hbm4b:s6+s4], $0x1000, $0x38;
	[tilespmem:$0x1C00] =	vst v63  }
0xc: {  	_ =	swait.ge [sflag:s29], $0x400  }
0xd: {  	[sflag:s29] =	ssyncset.done $0x0  }
0xe: {  	s30 =	simm.s32 $0x2;
	[sflag:s29] =	ssyncadd.s32 $0xFFFFFC00  }
0xf: {  	_ =	swait.ge [sflag:s30], $0x400  }
0x10: {  	[sflag:s30] =	ssyncset.done $0x0  }
0x11: {  	s31 =	simm.s32 $0x3;
	[sflag:s30] =	ssyncadd.s32 $0xFFFFFC00  }
0x12: {  	_ =	swait.ge [sflag:s31], $0x1000  }
0x13: {  	[sflag:s31] =	ssyncset.done $0x0  }
0x14: {  	s4 =	simm.s32 $0x0;
	[sflag:s31] =	ssyncadd.s32 $0xFFFFF000  }
0x15: {  	v0 =	vld [tilespmem:s4+$0x0];
	_ =	sdelay $0x3  }
0x16: {  	v1 =	vlaneseq.u32  }
0x17: {  	v3 =	vmul.u32 $0x40, v1;
	v2 =	vadd.s32 $0x3F, v0  }
0x18: {  	v0 =	vand.u32 $0x3F, v2  }
0x19: {  	v0 =	vor.u32 v3, v0;
	_ =	sdelay $0x2  }
0x1a: {  	v4 =	vld [tilespmem:s4+$0x10]  }
0x1b: {  	v6 =	vld [tilespmem:s4+$0x400]  }
0x1c: {  	v5 =	vld.idx.msk [tilespmem:v0+s3+$0x0], $0xffff;
	_ =	sdelay $0x2  }
0x1d: {  	v4 =	vadd.s32 $0x3F, v4;
	v2 =	vand.u32 $0x7C0, v2  }
0x1e: {  	v1 =	vor.u32 $0x400, v3;
	v7 =	vand.u32 $0x3F, v4;
	vm0 =	veq.s32 v2, $0x0  }
0x1f: {  	v0 =	vimm.s32 $0x0;
	v2 =	vmul.f32 v6, v5;
	v5 =	vor.u32 v1, v7  }
0x20: {  	v6 =	vsel vm0, $0x3F800000, v0  }
0x21: {  	v2 =	vmul.f32 v6, v2  }
0x22: {  	v7 =	vld [tilespmem:s4+$0x410]  }
0x23: {  	v6 =	vld [tilespmem:s4+$0x20];
	[tilespmem:s4+$0x1800] =	vst v2  }
0x24: {  	v5 =	vld.idx.msk [tilespmem:v5+s3+$0x0], $0xffff;
	_ =	sdelay $0x2  }
0x25: {  	v4 =	vand.u32 $0x7C0, v4  }
0x26: {  	vm14 =	veq.s32 v4, $0x0;
	v6 =	vadd.s32 $0x3F, v6  }
0x27: {  	v2 =	vor.u32 $0x800, v3;
	v8 =	vand.u32 $0x3F, v6;
	v4 =	vmul.f32 v7, v5  }
0x28: {  	v5 =	vor.u32 v2, v8;
	v7 =	vsel vm14, $0x3F800000, v0  }
0x29: {  	v4 =	vmul.f32 v7, v4;
	_ =	sdelay $0x1  }
0x2a: {  	[tilespmem:s4+$0x1810] =	vst v4;
	v4 =	vld [tilespmem:s4+$0x30]  }
0x2b: {  	v8 =	vld [tilespmem:s4+$0x420]  }
0x2c: {  	v7 =	vld.idx.msk [tilespmem:v5+s3+$0x0], $0xffff;
	_ =	sdelay $0x2  }
0x2d: {  	v6 =	vand.u32 $0x7C0, v6;
	v5 =	vadd.s32 $0x3F, v4  }
0x2e: {  	vm15 =	veq.s32 v6, $0x0;
	v4 =	vor.u32 $0xC00, v3;
	v6 =	vand.u32 $0x3F, v5  }
0x2f: {  	v7 =	vmul.f32 v8, v7;
	v6 =	vor.u32 v4, v6  }
0x30: {  	v8 =	vsel vm15, $0x3F800000, v0  }
0x31: {  	v7 =	vmul.f32 v8, v7  }
0x32: {  	s5 =	sadd.s32 $0x3000, s5;
	s7 =	simm.s32 $0x40;
	s6 =	simm.s32 $0x200  }
.LBB2_1:
0x33: {  	p0 =	sne.s32 s6, $0xF00;
	v8 =	vld [tilespmem:s7+$0x0];
	[tilespmem:s4+$0x1820] =	vst v7  }
0x34: {  	v6 =	vld.idx.msk [tilespmem:v6+s3+$0x0], $0xffff  }
0x35: {  	v7 =	vld [tilespmem:s4+$0x430];
	_ =	sdelay $0x2  }
0x36: {  	v8 =	vadd.s32 $0x3F, v8  }
0x37: {  	v5 =	vand.u32 $0x7C0, v5;
	v9 =	vand.u32 $0x3F, v8  }
0x38: {  	vm0 =	veq.s32 v5, $0x0;
	v9 =	vor.u32 v3, v9;
	v5 =	vmul.f32 v7, v6  }
0x39: {  	v6 =	vsel vm0, $0x3F800000, v0  }
0x3a: {  	v5 =	vmul.f32 v6, v5;
	_ =	sdelay $0x1  }
0x3b: {  	v6 =	vld [tilespmem:s7+$0x10];
	[tilespmem:s4+$0x1830] =	vst v5;
	s4 =	smov.u32 s7  }
0x3c: {  	v5 =	vld.idx.msk [tilespmem:v9+s3+$0x0], $0xffff  }
0x3d: {  	v7 =	vld [tilespmem:s4+$0x400];
	_ =	sdelay $0x2  }
0x3e: {  	v6 =	vadd.s32 $0x3F, v6  }
0x3f: {  	v8 =	vand.u32 $0x7C0, v8;
	v9 =	vand.u32 $0x3F, v6  }
0x40: {  	vm0 =	veq.s32 v8, $0x0;
	v5 =	vmul.f32 v7, v5;
	v7 =	vor.u32 v1, v9  }
0x41: {  	v8 =	vsel vm0, $0x3F800000, v0  }
0x42: {  	v5 =	vmul.f32 v8, v5;
	_ =	sdelay $0x1  }
0x43: {  	[tilespmem:s4+$0x1800] =	vst v5;
	v5 =	vld [tilespmem:s4+$0x20]  }
0x44: {  	v7 =	vld.idx.msk [tilespmem:v7+s3+$0x0], $0xffff  }
0x45: {  	v8 =	vld [tilespmem:s4+$0x410];
	_ =	sdelay $0x2  }
0x46: {  	v9 =	vadd.s32 $0x3F, v5  }
0x47: {  	v5 =	vand.u32 $0x7C0, v6;
	v6 =	vand.u32 $0x3F, v9  }
0x48: {  	vm0 =	veq.s32 v5, $0x0;
	v5 =	vmul.f32 v8, v7;
	v6 =	vor.u32 v2, v6  }
0x49: {  	v7 =	vsel vm0, $0x3F800000, v0  }
0x4a: {  	v5 =	vmul.f32 v7, v5;
	_ =	sdelay $0x1  }
0x4b: {  	[tilespmem:s4+$0x1810] =	vst v5;
	v5 =	vld [tilespmem:s4+$0x30]  }
0x4c: {  	v6 =	vld.idx.msk [tilespmem:v6+s3+$0x0], $0xffff  }
0x4d: {  	v7 =	vld [tilespmem:s4+$0x420];
	_ =	sdelay $0x2  }
0x4e: {  	v5 =	vadd.s32 $0x3F, v5  }
.Ltmp0:
0x4f: {  	v8 =	vand.u32 $0x7C0, v9;
	v9 =	vand.u32 $0x3F, v5;
	(pc) =	sbr.rel @p0 .LBB2_1-.Ltmp0, $4  }
0x50: {  	vm0 =	veq.s32 v8, $0x0;
	v7 =	vmul.f32 v7, v6;
	v6 =	vor.u32 v4, v9  }
0x51: {  	v8 =	vsel vm0, $0x3F800000, v0  }
0x52: {  	v7 =	vmul.f32 v8, v7  }
0x53: {  	s7 =	sshra.s32 s6, $0x2;
	s6 =	sadd.s32 $0x100, s6  }
0x54: {  	_ =	sdelay $0x1  }
0x55: {  	v8 =	vld [tilespmem:s7+$0x0]  }
0x56: {  	[tilespmem:s4+$0x1820] =	vst v7;
	v45 =	vld [tilespmem:s4+$0x430]  }
0x57: {  	v6 =	vld.idx.msk [tilespmem:v6+s3+$0x0], $0xffff;
	_ =	sdelay $0x3  }
0x58: {  	v5 =	vand.u32 $0x7C0, v5;
	v8 =	vadd.s32 $0x3F, v8  }
0x59: {  	vm0 =	veq.s32 v5, $0x0;
	v9 =	vand.u32 $0x3F, v8;
	v46 =	vmul.f32 v45, v6  }
0x5a: {  	v47 =	vsel vm0, $0x3F800000, v0;
	v3 =	vor.u32 v3, v9  }
0x5b: {  	v5 =	vmul.f32 v47, v46;
	_ =	sdelay $0x1  }
0x5c: {  	v48 =	vld [tilespmem:s7+$0x10];
	[tilespmem:s4+$0x1830] =	vst v5  }
0x5d: {  	v5 =	vld [tilespmem:s7+$0x400]  }
0x5e: {  	v3 =	vld.idx.msk [tilespmem:v3+s3+$0x0], $0xffff;
	_ =	sdelay $0x2  }
0x5f: {  	v6 =	vadd.s32 $0x3F, v48  }
0x60: {  	v49 =	vand.u32 $0x7C0, v8;
	v50 =	vand.u32 $0x3F, v6  }
0x61: {  	vm12 =	veq.s32 v49, $0x0;
	v1 =	vor.u32 v1, v50;
	v3 =	vmul.f32 v5, v3  }
0x62: {  	v51 =	vsel vm12, $0x3F800000, v0  }
0x63: {  	v3 =	vmul.f32 v51, v3  }
0x64: {  	v52 =	vld [tilespmem:s7+$0x20]  }
0x65: {  	v53 =	vld [tilespmem:s7+$0x410];
	[tilespmem:s7+$0x1800] =	vst v3  }
0x66: {  	v1 =	vld.idx.msk [tilespmem:v1+s3+$0x0], $0xffff;
	_ =	sdelay $0x2  }
0x67: {  	v3 =	vadd.s32 $0x3F, v52  }
0x68: {  	v6 =	vand.u32 $0x7C0, v6;
	v54 =	vand.u32 $0x3F, v3  }
0x69: {  	vm13 =	veq.s32 v6, $0x0;
	v2 =	vor.u32 v2, v54;
	v1 =	vmul.f32 v53, v1  }
0x6a: {  	v55 =	vsel vm13, $0x3F800000, v0  }
0x6b: {  	v1 =	vmul.f32 v55, v1  }
0x6c: {  	v56 =	vld [tilespmem:s7+$0x30]  }
0x6d: {  	v57 =	vld [tilespmem:s7+$0x420];
	[tilespmem:s7+$0x1810] =	vst v1  }
0x6e: {  	v2 =	vld.idx.msk [tilespmem:v2+s3+$0x0], $0xffff;
	_ =	sdelay $0x2  }
0x6f: {  	v1 =	vadd.s32 $0x3F, v56  }
0x70: {  	v3 =	vand.u32 $0x7C0, v3;
	v58 =	vand.u32 $0x3F, v1  }
0x71: {  	vm14 =	veq.s32 v3, $0x0;
	v59 =	vor.u32 v4, v58;
	v2 =	vmul.f32 v57, v2  }
0x72: {  	v60 =	vsel vm14, $0x3F800000, v0  }
0x73: {  	v2 =	vmul.f32 v60, v2;
	_ =	sdelay $0x1  }
0x74: {  	v61 =	vld [tilespmem:s7+$0x430];
	[tilespmem:s7+$0x1820] =	vst v2  }
0x75: {  	v2 =	vld.idx.msk [tilespmem:v59+s3+$0x0], $0xffff;
	_ =	sdelay $0x3  }
0x76: {  	v1 =	vand.u32 $0x7C0, v1  }
0x77: {  	vm15 =	veq.s32 v1, $0x0;
	v62 =	vmul.f32 v61, v2  }
0x78: {  	v63 =	vsel vm15, $0x3F800000, v0  }
0x79: {  	v0 =	vmul.f32 v63, v62  }
0x7a: {  	s2 =	sadd.s32 s5, s2;
	s28 =	simm.s32 $0x40  }
0x7b: {  	s29 =	simm.s32 $0x400;
	s30 =	simm.s32 $0x1800;
	s31 =	simm.s32 $0x4;
	[tilespmem:s7+$0x1830] =	vst v0  }
0x7c: {  	[hbm4b:s2+s28] =	stream.strided.scatter [tilespmem:s30], [sflag:$0x4], $0x400, s29, s28, $0x38;
	[tilespmem:$0x1C00] =	vst v63  }
0x7d: {  	_ =	swait.ge [sflag:s31], $0x400  }
0x7e: {  	[sflag:s31] =	ssyncset.done $0x0  }
0x7f: {  	[sflag:s31] =	ssyncadd.s32 $0xFFFFFC00  }
0x80: {  	_ =	sfence.sel $0x180000  }
0x81: {  	[bflag:$0x0] =	sbarrier.arrive $0xFFFF  }
0x82: {  	p0 =	sne.s32 s1, $0x0;
	_ =	strace $0x90000047  }
0x83: {  	s0 =	sadd.s32 @!p0 $0x100000, s0;
	[bflag:$0x2] =	sbarrier.arrive $0xFFFF  }
0x84: {  	[sflag:s0] =	ssyncadd.tile.s32 @!p0 $0x1;
	_ =	shalt  }
.Lfunc_end2:
_tile_overlayer_lowered:
.L_overlay_start_2:
0x85: {  	(tag) =	ssettag $0x2  }
0x86: {  	s0 =	rddreg [dreg:$0x0];
	s2 =	stileid.u32  }
0x87: {  	s1 =	rddreg [dreg:$0x1];
	p0 =	sne.s32 s2, $0x0  }
0x88: {  	s3 =	rddreg [dreg:$0x2];
	[bflag:$0x3] =	sbarrier.arrive $0xFFFF;
	s2 =	simm.s32 @!p0 $0x1C04  }
0x89: {  	[timem:s3], [sflag:s2] =	dma.local @!p0 [hbm:s0], s1  }
0x8a: {  	s0 =	simm.s32 @!p0 $0x4  }
0x8b: {  	_ =	swait.ge @!p0 [sflag:s0], s1  }
0x8c: {  	s1 =	ssub.s32 @!p0 $0x0, s1;
	[sflag:s0] =	ssyncset.done @!p0 $0x0  }
0x8d: {  	[sflag:s0] =	ssyncadd.s32 @!p0 s1  }
0x8e: {  	[bflag:$0x3] =	sbarrier.arrive $0xFFFF  }
0x8f: {  	_ =	shalt  }

</sc_bundles>
